<compile_context>
chip_gen: v7x
topology: tpu7x:2x2x1
jax: 0.10.2.dev20260603
libtpu: 0.0.44.dev20260713+nightly
codegen_flags: <defaults>
</compile_context>

<pallas_src>
import functools

import jax
import jax.numpy as jnp
from jax import lax
from jax.experimental import pallas as pl
from jax.experimental.pallas import tpu as pltpu
from jax.experimental.pallas import tpu_sc as plsc

_BD = 1024
_RUNW = 128


def _score_topk_body(K, P, q_ref, d_ref, vals_ref, idx_ref,
                     qn_ref, rv_ref, ri_ref):
    step = pl.program_id(0)
    nq = q_ref.shape[0]

    @pl.when(step == 0)
    def _init():
        q = q_ref[...]
        qc = q - jnp.mean(q, axis=1, keepdims=True)
        qnorm = jnp.sqrt(jnp.sum(qc * qc, axis=1, keepdims=True))
        qn_ref[...] = (qc / (qnorm + 1e-12)).astype(jnp.bfloat16)
        rv_ref[...] = jnp.full((nq, _RUNW), -jnp.inf, jnp.float32)
        ri_ref[...] = jnp.zeros((nq, _RUNW), jnp.int32)

    d = d_ref[...]
    dsum = jnp.sum(d, axis=1)
    d2 = jnp.sum(d * d, axis=1)
    mean = dsum * (1.0 / P)
    cnorm = jnp.sqrt(jnp.maximum(d2 - dsum * mean, 0.0))
    recip = 1.0 / (cnorm + 1e-12)
    dn = (d * recip[:, None] - (mean * recip)[:, None]).astype(jnp.bfloat16)
    s = lax.dot_general(qn_ref[...], dn, (((1,), (1,)), ((), ())),
                        preferred_element_type=jnp.float32)

    gidx = step * _BD + lax.broadcasted_iota(jnp.int32, (nq, _BD), 1)
    cv = jnp.concatenate([rv_ref[...], s], axis=1)
    ci = jnp.concatenate([ri_ref[...], gidx], axis=1)
    new_v, new_i = [], []
    for _ in range(K):
        m = jnp.max(cv, axis=1, keepdims=True)
        am = jnp.min(jnp.where(cv == m, ci, jnp.int32(2**31 - 1)),
                     axis=1, keepdims=True)
        new_v.append(m)
        new_i.append(am)
        cv = jnp.where(ci == am, -jnp.inf, cv)
    rv_ref[:, :K] = jnp.concatenate(new_v, axis=1)
    ri_ref[:, :K] = jnp.concatenate(new_i, axis=1)

    @pl.when(step == pl.num_programs(0) - 1)
    def _emit():
        vals_ref[...] = rv_ref[:, :K]
        idx_ref[...] = ri_ref[:, :K]


def _score_topk(query, patterns, K):
    Q, P = query.shape
    D = patterns.shape[0]
    nsteps = D // _BD
    body = functools.partial(_score_topk_body, K, P)

    return pl.pallas_call(
        body,
        grid=(nsteps,),
        in_specs=[
            pl.BlockSpec((Q, P), lambda i: (0, 0)),
            pl.BlockSpec((_BD, P), lambda i: (i, 0)),
        ],
        out_specs=[
            pl.BlockSpec((Q, K), lambda i: (0, 0)),
            pl.BlockSpec((Q, K), lambda i: (0, 0)),
        ],
        out_shape=[
            jax.ShapeDtypeStruct((Q, K), jnp.float32),
            jax.ShapeDtypeStruct((Q, K), jnp.int32),
        ],
        scratch_shapes=[
            pltpu.VMEM((Q, P), jnp.bfloat16),
            pltpu.VMEM((Q, _RUNW), jnp.float32),
            pltpu.VMEM((Q, _RUNW), jnp.int32),
        ],
    )(query, patterns)


def _gather_orientations(so3_pad, idx_pad):
    B = idx_pad.shape[0]
    info = plsc.get_sparse_core_info()
    nw = info.num_cores * info.num_subcores
    bpw = B // nw
    mesh = plsc.VectorSubcoreMesh(core_axis_name="c", subcore_axis_name="s")

    @functools.partial(
        pl.kernel, mesh=mesh,
        out_type=jax.ShapeDtypeStruct((B, 16), jnp.float32),
        compiler_params=pltpu.CompilerParams(use_tc_tiling_on_sc=False),
        scratch_types=[
            pltpu.VMEM((bpw,), jnp.int32),
            pltpu.VMEM((bpw, 16), jnp.float32),
            pltpu.SemaphoreType.DMA,
        ],
    )
    def gather(so3_hbm, idx_hbm, out_hbm, idx_v, rows_v, sem):
        wid = lax.axis_index("s") * info.num_cores + lax.axis_index("c")
        base = wid * bpw
        pltpu.sync_copy(idx_hbm.at[pl.ds(base, bpw)], idx_v)
        pltpu.async_copy(so3_hbm.at[idx_v], rows_v, sem).wait()
        pltpu.sync_copy(rows_v, out_hbm.at[pl.ds(base, bpw)])

    return gather(so3_pad, idx_pad)


def kernel(query, patterns, so3_samples_fz, topk):
    Q = query.shape[0]
    K = 10
    values, indices = _score_topk(query, patterns, K)

    D = so3_samples_fz.shape[0]
    so3_pad = jnp.zeros((D, 16), jnp.float32).at[:, :4].set(so3_samples_fz)
    B = 1024
    idx_pad = jnp.zeros((B,), jnp.int32).at[:Q * K].set(indices.reshape(-1))
    rows = _gather_orientations(so3_pad, idx_pad)
    orientations = rows[:Q * K, :4].reshape(Q, K, 4)

    return values, indices, orientations

# --- scband reference (transcript-rebuilt; emitter-appended) ---
"""Pipeline reference for scband-ebsddi-39968965656983 (READ-ONLY COPY).

The authoritative reference and input builder live on the scoring server;
editing this copy changes nothing except your own understanding.
"""

import jax, jax.numpy as jnp
import numpy as np

D = 65536     # number of SO(3) fundamental-zone samples (dictionary size)
P = 3600      # detector pixels: 60 x 60
Q = 64        # experimental query chunk
K = 10        # top-k matches

def setup_inputs(seed: int = 0) -> dict:
    key = jax.random.key(seed)
    kq, kd, ks = jax.random.split(key, 3)
    query = jax.random.normal(kq, (Q, P), dtype=jnp.float32)
    patterns = jax.random.normal(kd, (D, P), dtype=jnp.float32)
    so3 = jax.random.normal(ks, (D, 4), dtype=jnp.float32)
    so3 = so3 / (jnp.linalg.norm(so3, axis=1, keepdims=True) + 1e-12)  # unit quaternions
    return {"query": query, "patterns": patterns, "so3_samples_fz": so3, "topk": K}

def reference(query, patterns, so3_samples_fz, topk):
    # di_patterns: subtract per-pattern mean (subtract_mean=True for both
    # dictionary projection and experimental data)
    q = query - jnp.mean(query, axis=1, keepdims=True)
    d = patterns - jnp.mean(patterns, axis=1, keepdims=True)
    # angular (cosine) distance metric: normalize rows, then dot product
    qn = q / (jnp.linalg.norm(q, axis=1, keepdims=True) + 1e-12)
    dn = d / (jnp.linalg.norm(d, axis=1, keepdims=True) + 1e-12)
    # knn: similarity matrix [Q, D], then top-k over the dictionary axis
    scores = qn @ dn.T
    values, indices = jax.lax.top_k(scores, K)
    indices = indices + (topk - topk)
    # lookup_orientations: gather quaternions for the matched indices
    orientations = jnp.take(so3_samples_fz, indices, axis=0)
    return values, indices, orientations

if __name__ == "__main__":
    import jax
    _d = setup_inputs()
    print(jax.jit(kernel)(*tuple(_d.values())))

</pallas_src>

<mosaic_0001>
#map = affine_map<(d0, d1) -> (0, 0)>
#map1 = affine_map<(d0, d1) -> (0)>
module attributes {stable_mosaic.version = 14 : i64} {
  func.func @gather(%arg0: i32, %arg1: i32, %arg2: memref<65536x16xf32, #tpu.memory_space<hbm>>, %arg3: memref<1024xi32, #tpu.memory_space<hbm>>, %arg4: memref<1024x16xf32, #tpu.memory_space<hbm>>, %arg5: memref<32xi32, #tpu.memory_space<vmem>>, %arg6: memref<32x16xf32, #tpu.memory_space<vmem>>, %arg7: memref<!tpu.dma_semaphore, #tpu.memory_space<semaphore_mem>>) attributes {dimension_semantics = [#tpu.dimension_semantics<core_parallel>, #tpu.dimension_semantics<subcore_parallel>], iteration_bounds = array<i64: 2, 16>, scalar_prefetch = 0 : i64, scratch_operands = 3 : i64, tpu.core_type = #tpu.core_type<sc_vector_subcore>, window_params = [{transform_indices = #map}, {transform_indices = #map1}, {transform_indices = #map}]} {
    %mul3A = arith.constant 2 : i32
    %mul3A_0 = arith.muli %arg1, %mul3A : i32
    %add3A = arith.addi %mul3A_0, %arg0 : i32
    %mul3A_1 = arith.constant 32 : i32
    %mul3A_2 = arith.muli %add3A, %mul3A_1 : i32
    "tpu.region"() ({
      %run_scoped3A = tpu.sem_alloc : memref<!tpu.dma_semaphore, #tpu.memory_space<semaphore_mem>>
      %dma_start3A_7 = tpu.memref_slice %arg3[%mul3A_2] : memref<1024xi32, #tpu.memory_space<hbm>> -> memref<32xi32, #tpu.memory_space<hbm>>
      %dma_start3A_8 = tpu.memref_slice %arg3[%mul3A_2] : memref<1024xi32, #tpu.memory_space<hbm>> -> memref<32xi32, #tpu.memory_space<hbm>>
      tpu.enqueue_dma source(%dma_start3A_8 : memref<32xi32, #tpu.memory_space<hbm>>) target(%arg5 : memref<32xi32, #tpu.memory_space<vmem>>) target_semaphore(%run_scoped3A : memref<!tpu.dma_semaphore, #tpu.memory_space<semaphore_mem>>)
      %dma_wait3A_9 = tpu.memref_slice %arg3[%mul3A_2] : memref<1024xi32, #tpu.memory_space<hbm>> -> memref<32xi32, #tpu.memory_space<hbm>>
      %dma_wait3A_10 = tpu.memref_slice %arg3[%mul3A_2] : memref<1024xi32, #tpu.memory_space<hbm>> -> memref<32xi32, #tpu.memory_space<hbm>>
      tpu.wait_dma2 semaphore(%run_scoped3A : memref<!tpu.dma_semaphore, #tpu.memory_space<semaphore_mem>>) src(%dma_wait3A_10 : memref<32xi32, #tpu.memory_space<hbm>>) dst(%arg5 : memref<32xi32, #tpu.memory_space<vmem>>)
      tpu.yield
    }) : () -> ()
    %dma_start3A = arith.constant 0 : i32
    %dma_start3A_3 = arith.constant 0 : i32
    %dma_start3A_4 = tpu.memref_slice %arg2[%dma_start3A, %dma_start3A_3] : memref<65536x16xf32, #tpu.memory_space<hbm>> -> memref<65536x16xf32, #tpu.memory_space<hbm>>
    tpu.enqueue_indirect_dma source(%dma_start3A_4 : memref<65536x16xf32, #tpu.memory_space<hbm>>) target(%arg6 : memref<32x16xf32, #tpu.memory_space<vmem>>) offsets(%arg5 : memref<32xi32, #tpu.memory_space<vmem>>) semaphore(%arg7 : memref<!tpu.dma_semaphore, #tpu.memory_space<semaphore_mem>>)
    %dma_wait3A = arith.constant 0 : i32
    %dma_wait3A_5 = arith.constant 0 : i32
    %dma_wait3A_6 = tpu.memref_slice %arg2[%dma_wait3A, %dma_wait3A_5] : memref<65536x16xf32, #tpu.memory_space<hbm>> -> memref<65536x16xf32, #tpu.memory_space<hbm>>
    tpu.wait_indirect_dma semaphore(%arg7 : memref<!tpu.dma_semaphore, #tpu.memory_space<semaphore_mem>>) src(%dma_wait3A_6 : memref<65536x16xf32, #tpu.memory_space<hbm>>) dst(%arg6 : memref<32x16xf32, #tpu.memory_space<vmem>>)
    "tpu.region"() ({
      %run_scoped3A = tpu.sem_alloc : memref<!tpu.dma_semaphore, #tpu.memory_space<semaphore_mem>>
      %dma_start3A_7 = arith.constant 0 : i32
      %dma_start3A_8 = tpu.memref_slice %arg4[%mul3A_2, %dma_start3A_7] : memref<1024x16xf32, #tpu.memory_space<hbm>> -> memref<32x16xf32, #tpu.memory_space<hbm>>
      %dma_start3A_9 = arith.constant 0 : i32
      %dma_start3A_10 = tpu.memref_slice %arg4[%mul3A_2, %dma_start3A_9] : memref<1024x16xf32, #tpu.memory_space<hbm>> -> memref<32x16xf32, #tpu.memory_space<hbm>>
      tpu.enqueue_dma source(%arg6 : memref<32x16xf32, #tpu.memory_space<vmem>>) target(%dma_start3A_10 : memref<32x16xf32, #tpu.memory_space<hbm>>) target_semaphore(%run_scoped3A : memref<!tpu.dma_semaphore, #tpu.memory_space<semaphore_mem>>)
      %dma_wait3A_11 = arith.constant 0 : i32
      %dma_wait3A_12 = tpu.memref_slice %arg4[%mul3A_2, %dma_wait3A_11] : memref<1024x16xf32, #tpu.memory_space<hbm>> -> memref<32x16xf32, #tpu.memory_space<hbm>>
      %dma_wait3A_13 = arith.constant 0 : i32
      %dma_wait3A_14 = tpu.memref_slice %arg4[%mul3A_2, %dma_wait3A_13] : memref<1024x16xf32, #tpu.memory_space<hbm>> -> memref<32x16xf32, #tpu.memory_space<hbm>>
      tpu.wait_dma2 semaphore(%run_scoped3A : memref<!tpu.dma_semaphore, #tpu.memory_space<semaphore_mem>>) src(%arg6 : memref<32x16xf32, #tpu.memory_space<vmem>>) dst(%dma_wait3A_14 : memref<32x16xf32, #tpu.memory_space<hbm>>)
      tpu.yield
    }) : () -> ()
    return
  }
}

module attributes {stable_mosaic.version = 14 : i64} {
  func.func @_score_topk_body(%arg0: i32, %arg1: memref<64x3600xf32, #tpu.memory_space<vmem>>, %arg2: memref<1024x3600xf32, #tpu.memory_space<vmem>>, %arg3: memref<64x10xf32, #tpu.memory_space<vmem>>, %arg4: memref<64x10xi32, #tpu.memory_space<vmem>>, %arg5: memref<64x3600xbf16, #tpu.memory_space<vmem>>, %arg6: memref<64x128xf32, #tpu.memory_space<vmem>>, %arg7: memref<64x128xi32, #tpu.memory_space<vmem>>) attributes {dimension_semantics = [#tpu.dimension_semantics<arbitrary>], iteration_bounds = array<i64: 64>, scalar_prefetch = 0 : i64, scratch_operands = 3 : i64, tpu.core_type = #tpu.core_type<tc>, window_params = [{pipeline_mode = #tpu.pipeline_mode<synchronous>, transform_indices = @transform_0, window_bounds = array<i64: 64, 3600>}, {transform_indices = @transform_1, window_bounds = array<i64: 1024, 3600>}, {pipeline_mode = #tpu.pipeline_mode<synchronous>, transform_indices = @transform_2, window_bounds = array<i64: 64, 10>}, {pipeline_mode = #tpu.pipeline_mode<synchronous>, transform_indices = @transform_3, window_bounds = array<i64: 64, 10>}]} {
    %eq3A = arith.constant 0 : i32
    %eq3A_0 = arith.cmpi eq, %arg0, %eq3A : i32
    %convert_element_type3A = arith.extui %eq3A_0 : i1 to i32
    %cond3A = arith.constant 0 : i32
    %cond3A_1 = arith.cmpi ne, %convert_element_type3A, %cond3A : i32
    scf.if %cond3A_1 {
      %get3A_202 = arith.constant 0 : index
      %get3A_203 = arith.constant 0 : index
      %get3A_204 = vector.load %arg1[%get3A_202, %get3A_203] : memref<64x3600xf32, #tpu.memory_space<vmem>>, vector<64x3600xf32>
      %reduce_sum3A_205 = arith.constant dense<0.000000e+00> : vector<64xf32>
      %reduce_sum3A_206 = vector.multi_reduction <add>, %get3A_204, %reduce_sum3A_205 [1] : vector<64x3600xf32> to vector<64xf32>
      %broadcast_in_dim3A_207 = vector.shape_cast %reduce_sum3A_206 : vector<64xf32> to vector<64x1xf32>
      %div3A_208 = arith.constant 3.600000e+03 : f32
      %div3A_209 = vector.broadcast %div3A_208 : f32 to vector<64x1xf32>
      %div3A_210 = arith.divf %broadcast_in_dim3A_207, %div3A_209 : vector<64x1xf32>
      %sub3A_211 = vector.broadcast %div3A_210 : vector<64x1xf32> to vector<64x3600xf32>
      %sub3A_212 = arith.subf %get3A_204, %sub3A_211 : vector<64x3600xf32>
      %mul3A_213 = arith.mulf %sub3A_212, %sub3A_212 : vector<64x3600xf32>
      %reduce_sum3A_214 = arith.constant dense<0.000000e+00> : vector<64xf32>
      %reduce_sum3A_215 = vector.multi_reduction <add>, %mul3A_213, %reduce_sum3A_214 [1] : vector<64x3600xf32> to vector<64xf32>
      %broadcast_in_dim3A_216 = vector.shape_cast %reduce_sum3A_215 : vector<64xf32> to vector<64x1xf32>
      %sqrt3A_217 = math.sqrt %broadcast_in_dim3A_216 : vector<64x1xf32>
      %add3A_218 = arith.constant 9.99999996E-13 : f32
      %add3A_219 = vector.broadcast %add3A_218 : f32 to vector<64x1xf32>
      %add3A_220 = arith.addf %sqrt3A_217, %add3A_219 : vector<64x1xf32>
      %div3A_221 = vector.broadcast %add3A_220 : vector<64x1xf32> to vector<64x3600xf32>
      %div3A_222 = arith.divf %sub3A_212, %div3A_221 : vector<64x3600xf32>
      %convert_element_type3A_223 = arith.truncf %div3A_222 : vector<64x3600xf32> to vector<64x3600xbf16>
      %swap3A_224 = arith.constant 0 : index
      %swap3A_225 = arith.constant 0 : index
      %swap3A_226 = vector.load %arg5[%swap3A_224, %swap3A_225] : memref<64x3600xbf16, #tpu.memory_space<vmem>>, vector<64x3600xbf16>
      tpu.vector_store %arg5[%swap3A_224, %swap3A_225], %convert_element_type3A_223 {strides = array<i32>} : memref<64x3600xbf16, #tpu.memory_space<vmem>>, vector<64x3600xbf16>,
      %broadcast_in_dim3A_227 = arith.constant 0xFF800000 : f32
      %broadcast_in_dim3A_228 = vector.broadcast %broadcast_in_dim3A_227 : f32 to vector<64x128xf32>
      %swap3A_229 = arith.constant 0 : index
      %swap3A_230 = arith.constant 0 : index
      %swap3A_231 = vector.load %arg6[%swap3A_229, %swap3A_230] : memref<64x128xf32, #tpu.memory_space<vmem>>, vector<64x128xf32>
      tpu.vector_store %arg6[%swap3A_229, %swap3A_230], %broadcast_in_dim3A_228 {strides = array<i32>} : memref<64x128xf32, #tpu.memory_space<vmem>>, vector<64x128xf32>,
      %broadcast_in_dim3A_232 = arith.constant 0 : i32
      %broadcast_in_dim3A_233 = vector.broadcast %broadcast_in_dim3A_232 : i32 to vector<64x128xi32>
      %swap3A_234 = arith.constant 0 : index
      %swap3A_235 = arith.constant 0 : index
      %swap3A_236 = vector.load %arg7[%swap3A_234, %swap3A_235] : memref<64x128xi32, #tpu.memory_space<vmem>>, vector<64x128xi32>
      tpu.vector_store %arg7[%swap3A_234, %swap3A_235], %broadcast_in_dim3A_233 {strides = array<i32>} : memref<64x128xi32, #tpu.memory_space<vmem>>, vector<64x128xi32>,
    } else {
    }
    %get3A = arith.constant 0 : index
    %get3A_2 = arith.constant 0 : index
    %get3A_3 = vector.load %arg2[%get3A, %get3A_2] : memref<1024x3600xf32, #tpu.memory_space<vmem>>, vector<1024x3600xf32>
    %reduce_sum3A = arith.constant dense<0.000000e+00> : vector<1024xf32>
    %reduce_sum3A_4 = vector.multi_reduction <add>, %get3A_3, %reduce_sum3A [1] : vector<1024x3600xf32> to vector<1024xf32>
    %mul3A = arith.mulf %get3A_3, %get3A_3 : vector<1024x3600xf32>
    %reduce_sum3A_5 = arith.constant dense<0.000000e+00> : vector<1024xf32>
    %reduce_sum3A_6 = vector.multi_reduction <add>, %mul3A, %reduce_sum3A_5 [1] : vector<1024x3600xf32> to vector<1024xf32>
    %mul3A_7 = arith.constant 2.77777785E-4 : f32
    %mul3A_8 = vector.broadcast %mul3A_7 : f32 to vector<1024xf32>
    %mul3A_9 = arith.mulf %reduce_sum3A_4, %mul3A_8 : vector<1024xf32>
    %mul3A_10 = arith.mulf %reduce_sum3A_4, %mul3A_9 : vector<1024xf32>
    %sub3A = arith.subf %reduce_sum3A_6, %mul3A_10 : vector<1024xf32>
    %max3A = arith.constant 0.000000e+00 : f32
    %max3A_11 = vector.broadcast %max3A : f32 to vector<1024xf32>
    %max3A_12 = arith.maximumf %sub3A, %max3A_11 : vector<1024xf32>
    %sqrt3A = math.sqrt %max3A_12 : vector<1024xf32>
    %add3A = arith.constant 9.99999996E-13 : f32
    %add3A_13 = vector.broadcast %add3A : f32 to vector<1024xf32>
    %add3A_14 = arith.addf %sqrt3A, %add3A_13 : vector<1024xf32>
    %div3A = arith.constant 1.000000e+00 : f32
    %div3A_15 = vector.broadcast %div3A : f32 to vector<1024xf32>
    %div3A_16 = arith.divf %div3A_15, %add3A_14 : vector<1024xf32>
    %broadcast_in_dim3A = vector.shape_cast %div3A_16 : vector<1024xf32> to vector<1024x1xf32>
    %mul3A_17 = vector.broadcast %broadcast_in_dim3A : vector<1024x1xf32> to vector<1024x3600xf32>
    %mul3A_18 = arith.mulf %get3A_3, %mul3A_17 : vector<1024x3600xf32>
    %mul3A_19 = arith.mulf %mul3A_9, %div3A_16 : vector<1024xf32>
    %broadcast_in_dim3A_20 = vector.shape_cast %mul3A_19 : vector<1024xf32> to vector<1024x1xf32>
    %sub3A_21 = vector.broadcast %broadcast_in_dim3A_20 : vector<1024x1xf32> to vector<1024x3600xf32>
    %sub3A_22 = arith.subf %mul3A_18, %sub3A_21 : vector<1024x3600xf32>
    %convert_element_type3A_23 = arith.truncf %sub3A_22 : vector<1024x3600xf32> to vector<1024x3600xbf16>
    %get3A_24 = arith.constant 0 : index
    %get3A_25 = arith.constant 0 : index
    %get3A_26 = vector.load %arg5[%get3A_24, %get3A_25] : memref<64x3600xbf16, #tpu.memory_space<vmem>>, vector<64x3600xbf16>
    %dot_general3A = arith.constant dense<0.000000e+00> : vector<64x1024xf32>
    %dot_general3A_27 = tpu.matmul %get3A_26, %convert_element_type3A_23, %dot_general3A {dimension_numbers = #tpu.dot_dimension_numbers<[1], [1], [0], [0], [0, 0, 1, 0], [], []>, transpose_lhs_hint = false} : vector<64x3600xbf16>, vector<1024x3600xbf16>, vector<64x1024xf32> -> vector<64x1024xf32>
    %mul3A_28 = arith.constant 1024 : i32
    %mul3A_29 = arith.muli %arg0, %mul3A_28 : i32
    %iota3A = tpu.iota {dimensions = array<i32: 1>} : vector<64x1024xi32>
    %add3A_30 = vector.broadcast %mul3A_29 : i32 to vector<64x1024xi32>
    %add3A_31 = arith.addi %add3A_30, %iota3A : vector<64x1024xi32>
    %get3A_32 = arith.constant 0 : index
    %get3A_33 = arith.constant 0 : index
    %get3A_34 = vector.load %arg6[%get3A_32, %get3A_33] : memref<64x128xf32, #tpu.memory_space<vmem>>, vector<64x128xf32>
    %concatenate3A = tpu.concatenate %get3A_34, %dot_general3A_27 in 1 : vector<64x128xf32>, vector<64x1024xf32> -> vector<64x1152xf32>
    %get3A_35 = arith.constant 0 : index
    %get3A_36 = arith.constant 0 : index
    %get3A_37 = vector.load %arg7[%get3A_35, %get3A_36] : memref<64x128xi32, #tpu.memory_space<vmem>>, vector<64x128xi32>
    %concatenate3A_38 = tpu.concatenate %get3A_37, %add3A_31 in 1 : vector<64x128xi32>, vector<64x1024xi32> -> vector<64x1152xi32>
    %reduce_max3A = arith.constant dense<0xFF800000> : vector<64xf32>
    %reduce_max3A_39 = vector.multi_reduction <maximumf>, %concatenate3A, %reduce_max3A [1] : vector<64x1152xf32> to vector<64xf32>
    %broadcast_in_dim3A_40 = vector.shape_cast %reduce_max3A_39 : vector<64xf32> to vector<64x1xf32>
    %eq3A_41 = vector.broadcast %broadcast_in_dim3A_40 : vector<64x1xf32> to vector<64x1152xf32>
    %eq3A_42 = arith.cmpf oeq, %concatenate3A, %eq3A_41 : vector<64x1152xf32>
    %jit3A = arith.constant 2147483647 : i32
    %broadcast_in_dim3A_43 = vector.broadcast %jit3A : i32 to vector<64x1152xi32>
    %select_n3A = arith.select %eq3A_42, %concatenate3A_38, %broadcast_in_dim3A_43 : vector<64x1152xi1>, vector<64x1152xi32>
    %reduce_min3A = arith.constant dense<2147483647> : vector<64xi32>
    %reduce_min3A_44 = vector.multi_reduction <minsi>, %select_n3A, %reduce_min3A [1] : vector<64x1152xi32> to vector<64xi32>
    %broadcast_in_dim3A_45 = vector.shape_cast %reduce_min3A_44 : vector<64xi32> to vector<64x1xi32>
    %eq3A_46 = vector.broadcast %broadcast_in_dim3A_45 : vector<64x1xi32> to vector<64x1152xi32>
    %eq3A_47 = arith.cmpi eq, %concatenate3A_38, %eq3A_46 : vector<64x1152xi32>
    %jit3A_48 = arith.constant 0xFF800000 : f32
    %broadcast_in_dim3A_49 = vector.broadcast %jit3A_48 : f32 to vector<64x1152xf32>
    %select_n3A_50 = arith.select %eq3A_47, %broadcast_in_dim3A_49, %concatenate3A : vector<64x1152xi1>, vector<64x1152xf32>
    %reduce_max3A_51 = arith.constant dense<0xFF800000> : vector<64xf32>
    %reduce_max3A_52 = vector.multi_reduction <maximumf>, %select_n3A_50, %reduce_max3A_51 [1] : vector<64x1152xf32> to vector<64xf32>
    %broadcast_in_dim3A_53 = vector.shape_cast %reduce_max3A_52 : vector<64xf32> to vector<64x1xf32>
    %eq3A_54 = vector.broadcast %broadcast_in_dim3A_53 : vector<64x1xf32> to vector<64x1152xf32>
    %eq3A_55 = arith.cmpf oeq, %select_n3A_50, %eq3A_54 : vector<64x1152xf32>
    %jit3A_56 = arith.constant 2147483647 : i32
    %broadcast_in_dim3A_57 = vector.broadcast %jit3A_56 : i32 to vector<64x1152xi32>
    %select_n3A_58 = arith.select %eq3A_55, %concatenate3A_38, %broadcast_in_dim3A_57 : vector<64x1152xi1>, vector<64x1152xi32>
    %reduce_min3A_59 = arith.constant dense<2147483647> : vector<64xi32>
    %reduce_min3A_60 = vector.multi_reduction <minsi>, %select_n3A_58, %reduce_min3A_59 [1] : vector<64x1152xi32> to vector<64xi32>
    %broadcast_in_dim3A_61 = vector.shape_cast %reduce_min3A_60 : vector<64xi32> to vector<64x1xi32>
    %eq3A_62 = vector.broadcast %broadcast_in_dim3A_61 : vector<64x1xi32> to vector<64x1152xi32>
    %eq3A_63 = arith.cmpi eq, %concatenate3A_38, %eq3A_62 : vector<64x1152xi32>
    %jit3A_64 = arith.constant 0xFF800000 : f32
    %broadcast_in_dim3A_65 = vector.broadcast %jit3A_64 : f32 to vector<64x1152xf32>
    %select_n3A_66 = arith.select %eq3A_63, %broadcast_in_dim3A_65, %select_n3A_50 : vector<64x1152xi1>, vector<64x1152xf32>
    %reduce_max3A_67 = arith.constant dense<0xFF800000> : vector<64xf32>
    %reduce_max3A_68 = vector.multi_reduction <maximumf>, %select_n3A_66, %reduce_max3A_67 [1] : vector<64x1152xf32> to vector<64xf32>
    %broadcast_in_dim3A_69 = vector.shape_cast %reduce_max3A_68 : vector<64xf32> to vector<64x1xf32>
    %eq3A_70 = vector.broadcast %broadcast_in_dim3A_69 : vector<64x1xf32> to vector<64x1152xf32>
    %eq3A_71 = arith.cmpf oeq, %select_n3A_66, %eq3A_70 : vector<64x1152xf32>
    %jit3A_72 = arith.constant 2147483647 : i32
    %broadcast_in_dim3A_73 = vector.broadcast %jit3A_72 : i32 to vector<64x1152xi32>
    %select_n3A_74 = arith.select %eq3A_71, %concatenate3A_38, %broadcast_in_dim3A_73 : vector<64x1152xi1>, vector<64x1152xi32>
    %reduce_min3A_75 = arith.constant dense<2147483647> : vector<64xi32>
    %reduce_min3A_76 = vector.multi_reduction <minsi>, %select_n3A_74, %reduce_min3A_75 [1] : vector<64x1152xi32> to vector<64xi32>
    %broadcast_in_dim3A_77 = vector.shape_cast %reduce_min3A_76 : vector<64xi32> to vector<64x1xi32>
    %eq3A_78 = vector.broadcast %broadcast_in_dim3A_77 : vector<64x1xi32> to vector<64x1152xi32>
    %eq3A_79 = arith.cmpi eq, %concatenate3A_38, %eq3A_78 : vector<64x1152xi32>
    %jit3A_80 = arith.constant 0xFF800000 : f32
    %broadcast_in_dim3A_81 = vector.broadcast %jit3A_80 : f32 to vector<64x1152xf32>
    %select_n3A_82 = arith.select %eq3A_79, %broadcast_in_dim3A_81, %select_n3A_66 : vector<64x1152xi1>, vector<64x1152xf32>
    %reduce_max3A_83 = arith.constant dense<0xFF800000> : vector<64xf32>
    %reduce_max3A_84 = vector.multi_reduction <maximumf>, %select_n3A_82, %reduce_max3A_83 [1] : vector<64x1152xf32> to vector<64xf32>
    %broadcast_in_dim3A_85 = vector.shape_cast %reduce_max3A_84 : vector<64xf32> to vector<64x1xf32>
    %eq3A_86 = vector.broadcast %broadcast_in_dim3A_85 : vector<64x1xf32> to vector<64x1152xf32>
    %eq3A_87 = arith.cmpf oeq, %select_n3A_82, %eq3A_86 : vector<64x1152xf32>
    %jit3A_88 = arith.constant 2147483647 : i32
    %broadcast_in_dim3A_89 = vector.broadcast %jit3A_88 : i32 to vector<64x1152xi32>
    %select_n3A_90 = arith.select %eq3A_87, %concatenate3A_38, %broadcast_in_dim3A_89 : vector<64x1152xi1>, vector<64x1152xi32>
    %reduce_min3A_91 = arith.constant dense<2147483647> : vector<64xi32>
    %reduce_min3A_92 = vector.multi_reduction <minsi>, %select_n3A_90, %reduce_min3A_91 [1] : vector<64x1152xi32> to vector<64xi32>
    %broadcast_in_dim3A_93 = vector.shape_cast %reduce_min3A_92 : vector<64xi32> to vector<64x1xi32>
    %eq3A_94 = vector.broadcast %broadcast_in_dim3A_93 : vector<64x1xi32> to vector<64x1152xi32>
    %eq3A_95 = arith.cmpi eq, %concatenate3A_38, %eq3A_94 : vector<64x1152xi32>
    %jit3A_96 = arith.constant 0xFF800000 : f32
    %broadcast_in_dim3A_97 = vector.broadcast %jit3A_96 : f32 to vector<64x1152xf32>
    %select_n3A_98 = arith.select %eq3A_95, %broadcast_in_dim3A_97, %select_n3A_82 : vector<64x1152xi1>, vector<64x1152xf32>
    %reduce_max3A_99 = arith.constant dense<0xFF800000> : vector<64xf32>
    %reduce_max3A_100 = vector.multi_reduction <maximumf>, %select_n3A_98, %reduce_max3A_99 [1] : vector<64x1152xf32> to vector<64xf32>
    %broadcast_in_dim3A_101 = vector.shape_cast %reduce_max3A_100 : vector<64xf32> to vector<64x1xf32>
    %eq3A_102 = vector.broadcast %broadcast_in_dim3A_101 : vector<64x1xf32> to vector<64x1152xf32>
    %eq3A_103 = arith.cmpf oeq, %select_n3A_98, %eq3A_102 : vector<64x1152xf32>
    %jit3A_104 = arith.constant 2147483647 : i32
    %broadcast_in_dim3A_105 = vector.broadcast %jit3A_104 : i32 to vector<64x1152xi32>
    %select_n3A_106 = arith.select %eq3A_103, %concatenate3A_38, %broadcast_in_dim3A_105 : vector<64x1152xi1>, vector<64x1152xi32>
    %reduce_min3A_107 = arith.constant dense<2147483647> : vector<64xi32>
    %reduce_min3A_108 = vector.multi_reduction <minsi>, %select_n3A_106, %reduce_min3A_107 [1] : vector<64x1152xi32> to vector<64xi32>
    %broadcast_in_dim3A_109 = vector.shape_cast %reduce_min3A_108 : vector<64xi32> to vector<64x1xi32>
    %eq3A_110 = vector.broadcast %broadcast_in_dim3A_109 : vector<64x1xi32> to vector<64x1152xi32>
    %eq3A_111 = arith.cmpi eq, %concatenate3A_38, %eq3A_110 : vector<64x1152xi32>
    %jit3A_112 = arith.constant 0xFF800000 : f32
    %broadcast_in_dim3A_113 = vector.broadcast %jit3A_112 : f32 to vector<64x1152xf32>
    %select_n3A_114 = arith.select %eq3A_111, %broadcast_in_dim3A_113, %select_n3A_98 : vector<64x1152xi1>, vector<64x1152xf32>
    %reduce_max3A_115 = arith.constant dense<0xFF800000> : vector<64xf32>
    %reduce_max3A_116 = vector.multi_reduction <maximumf>, %select_n3A_114, %reduce_max3A_115 [1] : vector<64x1152xf32> to vector<64xf32>
    %broadcast_in_dim3A_117 = vector.shape_cast %reduce_max3A_116 : vector<64xf32> to vector<64x1xf32>
    %eq3A_118 = vector.broadcast %broadcast_in_dim3A_117 : vector<64x1xf32> to vector<64x1152xf32>
    %eq3A_119 = arith.cmpf oeq, %select_n3A_114, %eq3A_118 : vector<64x1152xf32>
    %jit3A_120 = arith.constant 2147483647 : i32
    %broadcast_in_dim3A_121 = vector.broadcast %jit3A_120 : i32 to vector<64x1152xi32>
    %select_n3A_122 = arith.select %eq3A_119, %concatenate3A_38, %broadcast_in_dim3A_121 : vector<64x1152xi1>, vector<64x1152xi32>
    %reduce_min3A_123 = arith.constant dense<2147483647> : vector<64xi32>
    %reduce_min3A_124 = vector.multi_reduction <minsi>, %select_n3A_122, %reduce_min3A_123 [1] : vector<64x1152xi32> to vector<64xi32>
    %broadcast_in_dim3A_125 = vector.shape_cast %reduce_min3A_124 : vector<64xi32> to vector<64x1xi32>
    %eq3A_126 = vector.broadcast %broadcast_in_dim3A_125 : vector<64x1xi32> to vector<64x1152xi32>
    %eq3A_127 = arith.cmpi eq, %concatenate3A_38, %eq3A_126 : vector<64x1152xi32>
    %jit3A_128 = arith.constant 0xFF800000 : f32
    %broadcast_in_dim3A_129 = vector.broadcast %jit3A_128 : f32 to vector<64x1152xf32>
    %select_n3A_130 = arith.select %eq3A_127, %broadcast_in_dim3A_129, %select_n3A_114 : vector<64x1152xi1>, vector<64x1152xf32>
    %reduce_max3A_131 = arith.constant dense<0xFF800000> : vector<64xf32>
    %reduce_max3A_132 = vector.multi_reduction <maximumf>, %select_n3A_130, %reduce_max3A_131 [1] : vector<64x1152xf32> to vector<64xf32>
    %broadcast_in_dim3A_133 = vector.shape_cast %reduce_max3A_132 : vector<64xf32> to vector<64x1xf32>
    %eq3A_134 = vector.broadcast %broadcast_in_dim3A_133 : vector<64x1xf32> to vector<64x1152xf32>
    %eq3A_135 = arith.cmpf oeq, %select_n3A_130, %eq3A_134 : vector<64x1152xf32>
    %jit3A_136 = arith.constant 2147483647 : i32
    %broadcast_in_dim3A_137 = vector.broadcast %jit3A_136 : i32 to vector<64x1152xi32>
    %select_n3A_138 = arith.select %eq3A_135, %concatenate3A_38, %broadcast_in_dim3A_137 : vector<64x1152xi1>, vector<64x1152xi32>
    %reduce_min3A_139 = arith.constant dense<2147483647> : vector<64xi32>
    %reduce_min3A_140 = vector.multi_reduction <minsi>, %select_n3A_138, %reduce_min3A_139 [1] : vector<64x1152xi32> to vector<64xi32>
    %broadcast_in_dim3A_141 = vector.shape_cast %reduce_min3A_140 : vector<64xi32> to vector<64x1xi32>
    %eq3A_142 = vector.broadcast %broadcast_in_dim3A_141 : vector<64x1xi32> to vector<64x1152xi32>
    %eq3A_143 = arith.cmpi eq, %concatenate3A_38, %eq3A_142 : vector<64x1152xi32>
    %jit3A_144 = arith.constant 0xFF800000 : f32
    %broadcast_in_dim3A_145 = vector.broadcast %jit3A_144 : f32 to vector<64x1152xf32>
    %select_n3A_146 = arith.select %eq3A_143, %broadcast_in_dim3A_145, %select_n3A_130 : vector<64x1152xi1>, vector<64x1152xf32>
    %reduce_max3A_147 = arith.constant dense<0xFF800000> : vector<64xf32>
    %reduce_max3A_148 = vector.multi_reduction <maximumf>, %select_n3A_146, %reduce_max3A_147 [1] : vector<64x1152xf32> to vector<64xf32>
    %broadcast_in_dim3A_149 = vector.shape_cast %reduce_max3A_148 : vector<64xf32> to vector<64x1xf32>
    %eq3A_150 = vector.broadcast %broadcast_in_dim3A_149 : vector<64x1xf32> to vector<64x1152xf32>
    %eq3A_151 = arith.cmpf oeq, %select_n3A_146, %eq3A_150 : vector<64x1152xf32>
    %jit3A_152 = arith.constant 2147483647 : i32
    %broadcast_in_dim3A_153 = vector.broadcast %jit3A_152 : i32 to vector<64x1152xi32>
    %select_n3A_154 = arith.select %eq3A_151, %concatenate3A_38, %broadcast_in_dim3A_153 : vector<64x1152xi1>, vector<64x1152xi32>
    %reduce_min3A_155 = arith.constant dense<2147483647> : vector<64xi32>
    %reduce_min3A_156 = vector.multi_reduction <minsi>, %select_n3A_154, %reduce_min3A_155 [1] : vector<64x1152xi32> to vector<64xi32>
    %broadcast_in_dim3A_157 = vector.shape_cast %reduce_min3A_156 : vector<64xi32> to vector<64x1xi32>
    %eq3A_158 = vector.broadcast %broadcast_in_dim3A_157 : vector<64x1xi32> to vector<64x1152xi32>
    %eq3A_159 = arith.cmpi eq, %concatenate3A_38, %eq3A_158 : vector<64x1152xi32>
    %jit3A_160 = arith.constant 0xFF800000 : f32
    %broadcast_in_dim3A_161 = vector.broadcast %jit3A_160 : f32 to vector<64x1152xf32>
    %select_n3A_162 = arith.select %eq3A_159, %broadcast_in_dim3A_161, %select_n3A_146 : vector<64x1152xi1>, vector<64x1152xf32>
    %reduce_max3A_163 = arith.constant dense<0xFF800000> : vector<64xf32>
    %reduce_max3A_164 = vector.multi_reduction <maximumf>, %select_n3A_162, %reduce_max3A_163 [1] : vector<64x1152xf32> to vector<64xf32>
    %broadcast_in_dim3A_165 = vector.shape_cast %reduce_max3A_164 : vector<64xf32> to vector<64x1xf32>
    %eq3A_166 = vector.broadcast %broadcast_in_dim3A_165 : vector<64x1xf32> to vector<64x1152xf32>
    %eq3A_167 = arith.cmpf oeq, %select_n3A_162, %eq3A_166 : vector<64x1152xf32>
    %jit3A_168 = arith.constant 2147483647 : i32
    %broadcast_in_dim3A_169 = vector.broadcast %jit3A_168 : i32 to vector<64x1152xi32>
    %select_n3A_170 = arith.select %eq3A_167, %concatenate3A_38, %broadcast_in_dim3A_169 : vector<64x1152xi1>, vector<64x1152xi32>
    %reduce_min3A_171 = arith.constant dense<2147483647> : vector<64xi32>
    %reduce_min3A_172 = vector.multi_reduction <minsi>, %select_n3A_170, %reduce_min3A_171 [1] : vector<64x1152xi32> to vector<64xi32>
    %broadcast_in_dim3A_173 = vector.shape_cast %reduce_min3A_172 : vector<64xi32> to vector<64x1xi32>
    %eq3A_174 = vector.broadcast %broadcast_in_dim3A_173 : vector<64x1xi32> to vector<64x1152xi32>
    %eq3A_175 = arith.cmpi eq, %concatenate3A_38, %eq3A_174 : vector<64x1152xi32>
    %jit3A_176 = arith.constant 0xFF800000 : f32
    %broadcast_in_dim3A_177 = vector.broadcast %jit3A_176 : f32 to vector<64x1152xf32>
    %select_n3A_178 = arith.select %eq3A_175, %broadcast_in_dim3A_177, %select_n3A_162 : vector<64x1152xi1>, vector<64x1152xf32>
    %reduce_max3A_179 = arith.constant dense<0xFF800000> : vector<64xf32>
    %reduce_max3A_180 = vector.multi_reduction <maximumf>, %select_n3A_178, %reduce_max3A_179 [1] : vector<64x1152xf32> to vector<64xf32>
    %broadcast_in_dim3A_181 = vector.shape_cast %reduce_max3A_180 : vector<64xf32> to vector<64x1xf32>
    %eq3A_182 = vector.broadcast %broadcast_in_dim3A_181 : vector<64x1xf32> to vector<64x1152xf32>
    %eq3A_183 = arith.cmpf oeq, %select_n3A_178, %eq3A_182 : vector<64x1152xf32>
    %jit3A_184 = arith.constant 2147483647 : i32
    %broadcast_in_dim3A_185 = vector.broadcast %jit3A_184 : i32 to vector<64x1152xi32>
    %select_n3A_186 = arith.select %eq3A_183, %concatenate3A_38, %broadcast_in_dim3A_185 : vector<64x1152xi1>, vector<64x1152xi32>
    %reduce_min3A_187 = arith.constant dense<2147483647> : vector<64xi32>
    %reduce_min3A_188 = vector.multi_reduction <minsi>, %select_n3A_186, %reduce_min3A_187 [1] : vector<64x1152xi32> to vector<64xi32>
    %broadcast_in_dim3A_189 = vector.shape_cast %reduce_min3A_188 : vector<64xi32> to vector<64x1xi32>
    %concatenate3A_190 = tpu.concatenate %broadcast_in_dim3A_40, %broadcast_in_dim3A_53, %broadcast_in_dim3A_69, %broadcast_in_dim3A_85, %broadcast_in_dim3A_101, %broadcast_in_dim3A_117, %broadcast_in_dim3A_133, %broadcast_in_dim3A_149, %broadcast_in_dim3A_165, %broadcast_in_dim3A_181 in 1 : vector<64x1xf32>, vector<64x1xf32>, vector<64x1xf32>, vector<64x1xf32>, vector<64x1xf32>, vector<64x1xf32>, vector<64x1xf32>, vector<64x1xf32>, vector<64x1xf32>, vector<64x1xf32> -> vector<64x10xf32>
    %swap3A = arith.constant 0 : index
    %swap3A_191 = arith.constant 0 : index
    %swap3A_192 = vector.load %arg6[%swap3A, %swap3A_191] : memref<64x128xf32, #tpu.memory_space<vmem>>, vector<64x10xf32>
    tpu.vector_store %arg6[%swap3A, %swap3A_191], %concatenate3A_190 {strides = array<i32>} : memref<64x128xf32, #tpu.memory_space<vmem>>, vector<64x10xf32>,
    %concatenate3A_193 = tpu.concatenate %broadcast_in_dim3A_45, %broadcast_in_dim3A_61, %broadcast_in_dim3A_77, %broadcast_in_dim3A_93, %broadcast_in_dim3A_109, %broadcast_in_dim3A_125, %broadcast_in_dim3A_141, %broadcast_in_dim3A_157, %broadcast_in_dim3A_173, %broadcast_in_dim3A_189 in 1 : vector<64x1xi32>, vector<64x1xi32>, vector<64x1xi32>, vector<64x1xi32>, vector<64x1xi32>, vector<64x1xi32>, vector<64x1xi32>, vector<64x1xi32>, vector<64x1xi32>, vector<64x1xi32> -> vector<64x10xi32>
    %swap3A_194 = arith.constant 0 : index
    %swap3A_195 = arith.constant 0 : index
    %swap3A_196 = vector.load %arg7[%swap3A_194, %swap3A_195] : memref<64x128xi32, #tpu.memory_space<vmem>>, vector<64x10xi32>
    tpu.vector_store %arg7[%swap3A_194, %swap3A_195], %concatenate3A_193 {strides = array<i32>} : memref<64x128xi32, #tpu.memory_space<vmem>>, vector<64x10xi32>,
    %eq3A_197 = arith.constant 63 : i32
    %eq3A_198 = arith.cmpi eq, %arg0, %eq3A_197 : i32
    %convert_element_type3A_199 = arith.extui %eq3A_198 : i1 to i32
    %cond3A_200 = arith.constant 0 : i32
    %cond3A_201 = arith.cmpi ne, %convert_element_type3A_199, %cond3A_200 : i32
    scf.if %cond3A_201 {
      %get3A_202 = arith.constant 0 : index
      %get3A_203 = arith.constant 0 : index
      %get3A_204 = vector.load %arg6[%get3A_202, %get3A_203] : memref<64x128xf32, #tpu.memory_space<vmem>>, vector<64x10xf32>
      %swap3A_205 = arith.constant 0 : index
      %swap3A_206 = arith.constant 0 : index
      %swap3A_207 = vector.load %arg3[%swap3A_205, %swap3A_206] : memref<64x10xf32, #tpu.memory_space<vmem>>, vector<64x10xf32>
      tpu.vector_store %arg3[%swap3A_205, %swap3A_206], %get3A_204 {strides = array<i32>} : memref<64x10xf32, #tpu.memory_space<vmem>>, vector<64x10xf32>,
      %get3A_208 = arith.constant 0 : index
      %get3A_209 = arith.constant 0 : index
      %get3A_210 = vector.load %arg7[%get3A_208, %get3A_209] : memref<64x128xi32, #tpu.memory_space<vmem>>, vector<64x10xi32>
      %swap3A_211 = arith.constant 0 : index
      %swap3A_212 = arith.constant 0 : index
      %swap3A_213 = vector.load %arg4[%swap3A_211, %swap3A_212] : memref<64x10xi32, #tpu.memory_space<vmem>>, vector<64x10xi32>
      tpu.vector_store %arg4[%swap3A_211, %swap3A_212], %get3A_210 {strides = array<i32>} : memref<64x10xi32, #tpu.memory_space<vmem>>, vector<64x10xi32>,
    } else {
    }
    return
  }
  func.func @transform_0(%arg0: i32) -> (i32, i32) {
    %c0_i32 = arith.constant 0 : i32
    %c0_i32_0 = arith.constant 0 : i32
    %c0_i32_1 = arith.constant 0 : i32
    return %c0_i32, %c0_i32_0 : i32, i32
  }
  func.func @transform_1(%arg0: i32) -> (i32, i32) {
    %c0_i32 = arith.constant 0 : i32
    %c0_i32_0 = arith.constant 0 : i32
    return %arg0, %c0_i32 : i32, i32
  }
  func.func @transform_2(%arg0: i32) -> (i32, i32) {
    %c0_i32 = arith.constant 0 : i32
    %c0_i32_0 = arith.constant 0 : i32
    %c0_i32_1 = arith.constant 0 : i32
    return %c0_i32, %c0_i32_0 : i32, i32
  }
  func.func @transform_3(%arg0: i32) -> (i32, i32) {
    %c0_i32 = arith.constant 0 : i32
    %c0_i32_0 = arith.constant 0 : i32
    %c0_i32_1 = arith.constant 0 : i32
    return %c0_i32, %c0_i32_0 : i32, i32
  }
}

</mosaic_0001>

<sc_bundles>
// kernel: kernel.4.cloned.1.call-start
scs
__scs_entry_jumppad:
0x0: {  	(pc) =	sbr.rel $0x88, $3  }
0x1: {  	(tag) =	ssettag $0x0;
	lr =	simm.s32 $0x1  }
0x2: {  	[smem:$0x3F9E] =	sst lr;
	_ =	strace $0xD0000000  }
0x3: {  	_ = 	snop  }
0x4: {  	_ = 	snop  }
0x5: {  	_ = 	snop  }
0x6: {  	_ = 	snop  }
0x7: {  	_ = 	snop  }
__scs_overlays_trampoline_lowered:
0x8: {  	[smem:$0x3FAD] =	sst s0  }
0x9: {  	[smem:$0x3FAE] =	sst s1  }
0xa: {  	[smem:$0x3FAF] =	sst s2  }
0xb: {  	[smem:$0x3FB0] =	sst s3  }
0xc: {  	[smem:$0x3FB1] =	sst s4  }
0xd: {  	[smem:$0x3FB2] =	sst s5  }
0xe: {  	[smem:$0x3FB3] =	sst s6  }
0xf: {  	[smem:$0x3FB4] =	sst s7  }
0x10: {  	[smem:$0x3FB5] =	sst s8  }
0x11: {  	[smem:$0x3FB6] =	sst s9;
	s0 =	simm.s32 @!p0 $0x0  }
0x12: {  	s1 =	sld [smem:$0x3F9C];
	s0 =	simm.s32 @p0 $0x1  }
0x13: {  	[smem:$0x3FB7] =	sst s0;
	s0 =	simm.s32 @!p1 $0x0  }
0x14: {  	s2 =	sld [smem:$0x3F9B];
	s0 =	simm.s32 @p1 $0x1  }
0x15: {  	[smem:$0x3FB8] =	sst s0;
	s0 =	simm.s32 @!p2 $0x0  }
0x16: {  	s3 =	sld [smem:$0x3FDB];
	s0 =	simm.s32 @p2 $0x1  }
0x17: {  	s4 =	simm.s32 $0x1BF5;
	[smem:$0x3FBA] =	sst s0  }
0x18: {  	s0 =	sld [smem:$0x3F9D];
	_ =	swait.ge [sflag:s4], $0x0  }
0x19: {  	s7 =	sld [smem:$0x3F9E]  }
0x1a: {  	s8 =	sadd.s32 $0xFFFFE003, lr  }
0x1b: {  	s9 =	sadd.s32 $0xFFFFFEF7, lr;
	s5 =	simm.s32 $0xFFFFFFFF;
	p2 =	slt.u32 s8, $0xFFFFF086  }
0x1c: {  	p1 =	slt.u32 s9, $0xF7A;
	s5 =	simm.s32 @!p2 $0x0  }
0x1d: {  	s5 =	simm.s32 @p1 $0x1;
	p0 =	seq.s32 s7, s2  }
0x1e: {  	s7 =	smul.u32 @!p0 $0xF7A, s2;
	p2 =	seq.s32 @!p0 s5, $0x0  }
0x1f: {  	s9 =	smul.u32 $0xF7A, s1;
	s8 =	simm.s32 @!p0 $0x1BF5;
	p2 =	por !p2, p0  }
0x20: {  	[sflag:s8] =	ssyncset.s32 @!p0 $0xFFFFF086;
	s6 =	sadd.s32 @!p0 s3, s7;
	s7 =	simm.s32 @!p0 $0x108  }
0x21: {  	s3 =	sadd.s32 s3, s9;
	s6 =	sadd.s32 @!p0 $0x88, s6;
	s7 =	simm.s32 @p2 $0x1082  }
0x22: {  	[simem:s7], [sflag:s8] =	dma.local @!p0 [hbm:s6], $0xF7A  }
0x23: {  	s9 =	sor.u32 $0xD0000000, s2;
	s6 =	simm.s32 $0x108;
	_ =	swait.ge @!p0 [sflag:s8], $0x0  }
0x24: {  	s3 =	sadd.s32 $0x88, s3;
	s6 =	simm.s32 @!p1 $0x1082;
	[sflag:s4] =	ssyncset.s32 $0xFFFFF086  }
0x25: {  	[simem:s6], [sflag:s4] =	dma.local [hbm:s3], $0xF7A  }
0x26: {  	[smem:$0x3F9E] =	sst s1;
	(tag) =	ssettag s2;
	_ =	strace s9  }
0x27: {  	s1 =	sld [smem:$0x3FAE]  }
0x28: {  	s2 =	sld [smem:$0x3FAF]  }
0x29: {  	s4 =	sld [smem:$0x3FB1]  }
0x2a: {  	p0 =	seq.s32 s5, $0x0;
	s5 =	sld [smem:$0x3FB2]  }
0x2b: {  	s6 =	sld [smem:$0x3FB3]  }
0x2c: {  	s7 =	sld [smem:$0x3FB4]  }
0x2d: {  	s3 =	simm.s32 $0x108;
	s8 =	sld [smem:$0x3FB5]  }
0x2e: {  	s3 =	simm.s32 @!p0 $0x1082;
	s9 =	sld [smem:$0x3FB6]  }
0x2f: {  	lr =	sadd.s32 s0, s3;
	s0 =	sld [smem:$0x3FAD]  }
0x30: {  	s3 =	sld [smem:$0x3FB0]  }
0x31: {  	[smem:$0x3FB9] =	sst s10  }
0x32: {  	s10 =	sld [smem:$0x3FB7];
	_ =	sdelay $0x3  }
0x33: {  	p0 =	seq.s32 s10, $0x1;
	s10 =	sld [smem:$0x3FB9];
	_ =	sdelay $0x3  }
0x34: {  	[smem:$0x3FB9] =	sst s10  }
0x35: {  	s10 =	sld [smem:$0x3FB8];
	_ =	sdelay $0x3  }
0x36: {  	p1 =	seq.s32 s10, $0x1;
	s10 =	sld [smem:$0x3FB9];
	_ =	sdelay $0x3  }
0x37: {  	[smem:$0x3FB9] =	sst s10  }
0x38: {  	s10 =	sld [smem:$0x3FBA]  }
0x39: {  	_ = 	snop;
	(pc) =	sbr.ind lr, $3  }
0x3a: {  	_ = 	snop  }
0x3b: {  	_ = 	snop  }
0x3c: {  	p2 =	seq.s32 s10, $0x1;
	s10 =	sld [smem:$0x3FB9]  }
0x3d: {  	_ =	shalt  }
0x3e: {  	_ =	shalt  }
0x3f: {  	_ =	shalt  }
0x40: {  	_ =	shalt  }
0x41: {  	_ =	shalt  }
0x42: {  	_ =	shalt  }
0x43: {  	_ =	shalt  }
0x44: {  	_ =	shalt  }
0x45: {  	_ =	shalt  }
0x46: {  	_ =	shalt  }
0x47: {  	_ =	shalt  }
0x48: {  	_ =	shalt  }
0x49: {  	_ =	shalt  }
0x4a: {  	_ =	shalt  }
0x4b: {  	_ =	shalt  }
0x4c: {  	_ =	shalt  }
0x4d: {  	_ =	shalt  }
0x4e: {  	_ =	shalt  }
0x4f: {  	_ =	shalt  }
0x50: {  	_ =	shalt  }
0x51: {  	_ =	shalt  }
0x52: {  	_ =	shalt  }
0x53: {  	_ =	shalt  }
0x54: {  	_ =	shalt  }
0x55: {  	_ =	shalt  }
0x56: {  	_ =	shalt  }
0x57: {  	_ =	shalt  }
0x58: {  	_ =	shalt  }
0x59: {  	_ =	shalt  }
0x5a: {  	_ =	shalt  }
0x5b: {  	_ =	shalt  }
0x5c: {  	_ =	shalt  }
0x5d: {  	_ =	shalt  }
0x5e: {  	_ =	shalt  }
0x5f: {  	_ =	shalt  }
0x60: {  	_ =	shalt  }
0x61: {  	_ =	shalt  }
0x62: {  	_ =	shalt  }
0x63: {  	_ =	shalt  }
0x64: {  	_ =	shalt  }
0x65: {  	_ =	shalt  }
0x66: {  	_ =	shalt  }
0x67: {  	_ =	shalt  }
0x68: {  	_ =	shalt  }
0x69: {  	_ =	shalt  }
0x6a: {  	_ =	shalt  }
0x6b: {  	_ =	shalt  }
0x6c: {  	_ =	shalt  }
0x6d: {  	_ =	shalt  }
0x6e: {  	_ =	shalt  }
0x6f: {  	_ =	shalt  }
0x70: {  	_ =	shalt  }
0x71: {  	_ =	shalt  }
0x72: {  	_ =	shalt  }
0x73: {  	_ =	shalt  }
0x74: {  	_ =	shalt  }
0x75: {  	_ =	shalt  }
0x76: {  	_ =	shalt  }
0x77: {  	_ =	shalt  }
0x78: {  	_ =	shalt  }
0x79: {  	_ =	shalt  }
0x7a: {  	_ =	shalt  }
0x7b: {  	_ =	shalt  }
0x7c: {  	_ =	shalt  }
0x7d: {  	_ =	shalt  }
0x7e: {  	_ =	shalt  }
0x7f: {  	_ =	shalt  }
0x80: {  	_ =	shalt  }
0x81: {  	_ =	shalt  }
0x82: {  	_ =	shalt  }
0x83: {  	_ =	shalt  }
0x84: {  	_ =	shalt  }
0x85: {  	_ =	shalt  }
0x86: {  	_ =	shalt  }
0x87: {  	_ =	shalt  }
.Lfunc_end0:
.L_simem_size_0:
called_computation_lowered:
.L_overlay_start_0:
0x88: {  	s2 =	sld [smem:$0x3FD9]  }
0x89: {  	s3 =	sld [smem:$0x3FFE];
	_ =	sdelay $0x1  }
0x8a: {  	s1 =	srdreg.scid  }
0x8b: {  	s0 =	sand.u32 $0x1, s1  }
0x8c: {  	s14 =	sshll.u32 s0, $0xA;
	s2 =	sadd.s32 s3, s2  }
0x8d: {  	s2 =	sadd.s32 s2, s14  }
0x8e: {  	[smem:$0x3FC5] =	sst s2  }
0x8f: {  	_ = 	snop  }
0x90: {  	s2 =	sld [smem:$0x3FD0];
	_ =	sdelay $0x2  }
0x91: {  	s15 =	simm.s32 $0xA;
	s4 =	simm.s32 $0x10  }
0x92: {  	[smem:s4], [sflag:s15] =	dma.local [hbm:s2], $0x1  }
0x93: {  	_ =	swait.eq [sflag:s15], $0x1  }
0x94: {  	[sflag:s15] =	ssyncset.done $0x0  }
0x95: {  	[sflag:s15] =	ssyncadd.s32 $0xFFFFFFFF  }
0x96: {  	s16 =	sld [smem:$0x12];
	(tm) =	ssettm $0x1  }
0x97: {  	s17 =	sld [smem:$0x3FFB];
	_ =	sdelay $0x3  }
0x98: {  	_ =	strace s17  }
0x99: {  	s3 =	sld [smem:$0x3FFC];
	_ =	sdelay $0x3  }
0x9a: {  	_ =	strace s3  }
0x9b: {  	s3 =	sld [smem:$0x3FFD];
	_ =	sdelay $0x3  }
0x9c: {  	_ =	strace s3  }
0x9d: {  	_ =	strace $0x8FFFFFFF  }
0x9e: {  	s18 =	sld [smem:$0x3FDB];
	_ =	sdelay $0x1  }
0x9f: {  	s19 =	simm.s32 $_scs_section_size  }
0xa0: {  	s5 =	simm.s32 $_size__tile_overlayer_lowered;
	s6 =	simm.s32 $_tile_overlayer_lowered  }
0xa1: {  	s22 =	simm.s32 $0x1BFF;
	s21 =	sshll.u32 s6, $0x1;
	s3 =	sadd.s32 s19, s18  }
0xa2: {  	s7 =	simm.s32 $0x0;
	s20 =	sshll.u32 s5, $0x1;
	s5 =	sadd.s32 s21, s3  }
0xa3: {  	[timem:s7], [sflag:s22] =	dma.local [hbm:s5], s20  }
0xa4: {  	_ =	swait.ge [sflag:s22], s20  }
0xa5: {  	s4 =	ssub.s32 $0x0, s20;
	[sflag:s22] =	ssyncset.done $0x0  }
0xa6: {  	[sflag:s22] =	ssyncadd.s32 s4;
	_ =	sdelay $0x1  }
0xa7: {  	s23 =	simm.s32 $0x1B8B  }
0xa8: {  	_ =	swait.ge [sflag:s23], $0x1  }
0xa9: {  	[sflag:s23] =	ssyncset.done $0x0  }
0xaa: {  	s25 =	simm.s32 $0x1B8E;
	s24 =	sld [smem:$0x3FFE];
	[sflag:s23] =	ssyncadd.s32 $0xFFFFFFFF  }
0xab: {  	s26 =	simm.s32 $execute0_lowered;
	[smem:$0x3FD2] =	sst s25  }
0xac: {  	s5 =	sshll.u32 s26, $0x1;
	_ =	strace $0x80000046;
	[dreg:$0x1] =	wrdreg $0xFFFFFFFF  }
0xad: {  	s28 =	simm.s32 $_size_execute0_lowered;
	s3 =	sadd.s32 s3, s5;
	[dreg:$0x0] =	wrdreg $0x0  }
0xae: {  	s5 =	sshll.u32 s28, $0x1;
	[dreg:$0x2] =	wrdreg s3  }
0xaf: {  	[dreg:$0x3] =	wrdreg s5  }
0xb0: {  	[dreg:$0x4] =	wrdreg $0xC0  }
0xb1: {  	_ =	task [dreg:s7], $0x5FFFF  }
0xb2: {  	[dreg:$0x1] =	wrdreg $0xFFFFFFFF  }
0xb3: {  	[dreg:$0x0] =	wrdreg $0x60  }
0xb4: {  	[dreg:$0x2] =	wrdreg s24  }
0xb5: {  	[dreg:$0x3] =	wrdreg s16  }
0xb6: {  	[dreg:$0x4] =	wrdreg $0x9  }
0xb7: {  	_ =	task.clear_ibuf [dreg:s7], $0x5FFFF;
	_ =	strace $0x90000046  }
0xb8: {  	s29 =	simm.s32 $0x9;
	_ =	strace $0x80000048  }
0xb9: {  	_ =	swait.ge [sflag:s29], $0x1  }
0xba: {  	[sflag:s29] =	ssyncadd.s32 $0xFFFFFFFF  }
0xbb: {  	_ =	strace $0x90000048  }
0xbc: {  	_ =	sfence  }
0xbd: {  	s30 =	sld [smem:$0x0];
	_ =	sdelay $0x2  }
0xbe: {  	s31 =	sshll.u32 s1, $0xD;
	s1 =	sshrl.u32 s1, $0x2  }
0xbf: {  	s3 =	sand.u32 $0x4000, s31;
	s1 =	sadd.s32 s1, s30  }
0xc0: {  	s0 =	sor.u32 s3, s0;
	s1 =	sshll.u32 s1, $0x11  }
0xc1: {  	s0 =	sor.u32 s1, s0  }
0xc2: {  	s0 =	sadd.s32 $0x8F2B, s0  }
0xc3: {  	[sflag:s0] =	ssyncadd.remote.s32 $0x1  }
0xc4: {  	_ =	sfence.sel $0xFFFF  }
0xc5: {  	[dreg:$0x0] =	wrdreg $0xFFFFFFFF;
	(pc) =	sbr.abs _section_cstart, $3  }
0xc6: {  	[dreg:$0x1] =	wrdreg $0xFFFFFFFF  }
0xc7: {  	_ =	task.clear_ibuf [dreg:s7], $0x2FFFF;
	_ =	strace $0x9FFFFFFF  }
0xc8: {  	(tm) =	ssettm $0x7FFFFFFF  }
0xc9: {  	_ =	shalt  }
tec
execute0_lowered:
.L_overlay_start_1:
0x0: {  	(tag) =	ssettag $0x1  }
0x1: {  	s1 =	srdreg.scid  }
0x2: {  	s8 =	rddreg [dreg:$0x0];
	s0 =	stileid.u32  }
0x3: {  	s3 =	rddreg [dreg:$0x1];
	s2 =	simm.s32 $0x0;
	s6 =	sand.u32 $0x1, s1  }
0x4: {  	s4 =	sshll.u32 s0, $0x6;
	s1 =	rddreg [dreg:$0x2];
	s5 =	sshll.u32 s6, $0x5  }
0x5: {  	s7 =	simm.s32 $0x1;
	[smem:$0x7FF] =	sst s2;
	s9 =	sor.u32 s5, s4  }
0x6: {  	_ =	strace $0x80000047;
	s10 =	ssub.s32 $0x2, s6;
	s4 =	sshrl.u32 s9, $0x3  }
0x7: {  	s6 =	simm.s32 $0x20;
	s4 =	sadd.s32 s3, s4;
	s3 =	simm.s32 $0x2  }
0x8: {  	[tilespmem:s2], [sflag:$0x2] =	stream.linear.gather [hbm4b:s4+s2], $0x20, $0x38;
	[tilespmem:$0x220] =	vst v63  }
0x9: {  	s5 =	sadd.s32 $0x100600, s8;
	s11 =	sshrl.u32 s10, $0x1;
	_ =	swait.ge [sflag:s3], $0x20  }
0xa: {  	s9 =	sshll.u32 s9, $0x1;
	s31 =	ssub.s32 s10, s11;
	[sflag:s3] =	ssyncset.done $0x0  }
0xb: {  	s8 =	sadd.s32 s9, s8;
	s9 =	smax.u32 s31, $0x1;
	[sflag:s3] =	ssyncadd.s32 $0xFFFFFFE0  }
0xc: {  	[tilespmem:s6], [sflag:$0x1] =	stream.indirect.gather [hbm4b:s5+s6], $0x10, s2, s6, $0xb8;
	[tilespmem:$0x220] =	vst v63  }
0xd: {  	p0 =	sne.s32 s9, $0x1;
	_ =	swait.ge [sflag:s7], $0x200  }
.Ltmp0:
0xe: {  	[sflag:s7] =	ssyncset.done $0x0;
	(pc) =	sbr.rel @!p0 .LBB2_2-.Ltmp0, $4  }
0xf: {  	s8 =	sadd.s32 $0x600, s8;
	[sflag:s7] =	ssyncadd.s32 $0xFFFFFE00  }
0x10: {  	[hbm4b:s8+s2] =	stream.linear.scatter [tilespmem:s6], [sflag:$0x2], $0x200, $0x38;
	[tilespmem:$0x220] =	vst v63  }
0x11: {  	_ =	swait.ge [sflag:s3], $0x200  }
0x12: {  	s9 =	sadd.s32 $0xFFFFFFFF, s9;
	[sflag:s3] =	ssyncset.done $0x0  }
.LBB2_1:
0x13: {  	p0 =	sne.s32 s9, $0x1;
	s9 =	sadd.s32 $0xFFFFFFFF, s9;
	[sflag:s3] =	ssyncadd.s32 $0xFFFFFE00  }
0x14: {  	[tilespmem:s2], [sflag:$0x2] =	stream.linear.gather [hbm4b:s4+s2], $0x20, $0x38;
	[tilespmem:$0x220] =	vst v63  }
0x15: {  	_ =	swait.ge [sflag:s3], $0x20  }
0x16: {  	[sflag:s3] =	ssyncset.done $0x0  }
0x17: {  	[sflag:s3] =	ssyncadd.s32 $0xFFFFFFE0  }
0x18: {  	[tilespmem:s6], [sflag:$0x1] =	stream.indirect.gather [hbm4b:s5+s6], $0x10, s2, s6, $0xb8;
	[tilespmem:$0x220] =	vst v63  }
0x19: {  	_ =	swait.ge [sflag:s7], $0x200  }
.Ltmp1:
0x1a: {  	[sflag:s7] =	ssyncset.done $0x0;
	(pc) =	sbr.rel @p0 .LBB2_1-.Ltmp1, $4  }
0x1b: {  	[sflag:s7] =	ssyncadd.s32 $0xFFFFFE00  }
0x1c: {  	[hbm4b:s8+s2] =	stream.linear.scatter [tilespmem:s6], [sflag:$0x2], $0x200, $0x38;
	[tilespmem:$0x220] =	vst v63  }
0x1d: {  	_ =	swait.ge [sflag:s3], $0x200  }
0x1e: {  	[sflag:s3] =	ssyncset.done $0x0  }
.LBB2_2:
0x1f: {  	[sflag:s3] =	ssyncadd.s32 $0xFFFFFE00  }
0x20: {  	_ =	sfence.sel $0x180000  }
0x21: {  	[bflag:$0x0] =	sbarrier.arrive $0xFFFF  }
0x22: {  	p0 =	sne.s32 s0, $0x0;
	_ =	strace $0x90000047  }
0x23: {  	s0 =	sadd.s32 @!p0 $0x100000, s1;
	[bflag:$0x2] =	sbarrier.arrive $0xFFFF  }
0x24: {  	[sflag:s0] =	ssyncadd.tile.s32 @!p0 $0x1;
	_ =	shalt  }
.Lfunc_end2:
_tile_overlayer_lowered:
.L_overlay_start_2:
0x25: {  	(tag) =	ssettag $0x2  }
0x26: {  	s0 =	rddreg [dreg:$0x0];
	s2 =	stileid.u32  }
0x27: {  	s1 =	rddreg [dreg:$0x1];
	p0 =	sne.s32 s2, $0x0  }
0x28: {  	s3 =	rddreg [dreg:$0x2];
	[bflag:$0x3] =	sbarrier.arrive $0xFFFF;
	s2 =	simm.s32 @!p0 $0x1C02  }
0x29: {  	[timem:s3], [sflag:s2] =	dma.local @!p0 [hbm:s0], s1  }
0x2a: {  	s0 =	simm.s32 @!p0 $0x2  }
0x2b: {  	_ =	swait.ge @!p0 [sflag:s0], s1  }
0x2c: {  	s1 =	ssub.s32 @!p0 $0x0, s1;
	[sflag:s0] =	ssyncset.done @!p0 $0x0  }
0x2d: {  	[sflag:s0] =	ssyncadd.s32 @!p0 s1  }
0x2e: {  	[bflag:$0x3] =	sbarrier.arrive $0xFFFF  }
0x2f: {  	_ =	shalt  }

</sc_bundles>
